<compile_context>
chip_gen: v7x
topology: tpu7x:2x2x1
jax: 0.10.2.dev20260603
libtpu: 0.0.44.dev20260713+nightly
codegen_flags: <defaults>
</compile_context>

<pallas_src>
import functools

import jax
import jax.numpy as jnp
from jax import lax
from jax.experimental import pallas as pl
from jax.experimental.pallas import tpu as pltpu
from jax.experimental.pallas import tpu_sc as plsc

QUARTER = 192
SEQ = 81
HID = 4 * QUARTER
BS = 3
SC_ROWS = 30
TC_ROWS = SEQ - SC_ROWS
REP = 128
NC = 2
NS = 16
NW = NC * NS


def _enc_from_tables(row, col, box, pos):
    row81 = jnp.broadcast_to(row[:, None, :], (9, 9, QUARTER)).reshape(SEQ, QUARTER)
    col81 = jnp.broadcast_to(col[None, :, :], (9, 9, QUARTER)).reshape(SEQ, QUARTER)
    boxr = box.reshape(3, 3, QUARTER)
    box81 = jnp.broadcast_to(
        boxr[:, None, :, None, :], (3, 3, 3, 3, QUARTER)
    ).reshape(SEQ, QUARTER)
    return jnp.concatenate([row81, col81, box81, pos], axis=-1)


def _enc_rep_kernel(row_ref, col_ref, box_ref, pos_ref, rep_ref):
    enc = _enc_from_tables(row_ref[:], col_ref[:], box_ref[:], pos_ref[:])
    tail = enc[TC_ROWS:, :]
    rep_ref[:] = jnp.broadcast_to(tail[:, None, :], (SC_ROWS, REP, HID))


def _one_hot_rows(idx, n, table):
    j = jax.lax.broadcasted_iota(jnp.int32, (BS, n), 1)
    oh = (j == idx[:, None]).astype(jnp.float32)
    return jax.lax.dot_general(
        oh, table, (((1,), (0,)), ((), ())),
        preferred_element_type=jnp.float32)


def _bcast_kernel(batch, row_ref, col_ref, box_ref, pos_ref, out_ref):
    i = pl.program_id(0)
    p = i * BS + jax.lax.broadcasted_iota(jnp.int32, (BS,), 0)
    r, c = p // 9, p % 9
    b = (r // 3) * 3 + c // 3
    rows = jnp.concatenate([
        _one_hot_rows(r, 9, row_ref[:]),
        _one_hot_rows(c, 9, col_ref[:]),
        _one_hot_rows(b, 9, box_ref[:]),
        _one_hot_rows(p, SEQ, pos_ref[:]),
    ], axis=-1)
    out_ref[:] = jnp.broadcast_to(rows[:, None, :], (BS, batch, HID))


def _sc_bcast(batch, rep_hbm, out_hbm, slab_v, in_sem, out_sem):
    wid = lax.axis_index("s") * NC + lax.axis_index("c")

    @pl.when(wid < SC_ROWS)
    def _():
        pltpu.make_async_copy(rep_hbm.at[wid], slab_v, in_sem).start()
        pltpu.make_async_copy(rep_hbm.at[wid], slab_v, in_sem).wait()
        outs = [
            pltpu.make_async_copy(
                slab_v, out_hbm.at[wid, pl.ds(k * REP, REP)], out_sem)
            for k in range(batch // REP)
        ]
        for cp in outs:
            cp.start()
        for cp in outs:
            cp.wait()


@functools.partial(jax.jit, static_argnames=("batch",))
def _run(row_embed, col_embed, box_embed, pos_embed, batch):
    assert batch % REP == 0
    enc_rep = pl.pallas_call(
        _enc_rep_kernel,
        out_shape=jax.ShapeDtypeStruct((SC_ROWS, REP, HID), jnp.float32),
    )(row_embed, col_embed, box_embed, pos_embed)

    mesh = plsc.VectorSubcoreMesh(core_axis_name="c", subcore_axis_name="s")
    sc_out = pl.kernel(
        functools.partial(_sc_bcast, batch),
        out_type=jax.ShapeDtypeStruct((SC_ROWS, batch, HID), jnp.float32),
        mesh=mesh,
        scratch_types=[
            pltpu.VMEM((REP, HID), jnp.float32),
            pltpu.SemaphoreType.DMA,
            pltpu.SemaphoreType.DMA,
        ],
        compiler_params=pltpu.CompilerParams(use_tc_tiling_on_sc=True),
    )(enc_rep)

    tc_out = pl.pallas_call(
        functools.partial(_bcast_kernel, batch),
        grid=(TC_ROWS // BS,),
        in_specs=[
            pl.BlockSpec((9, QUARTER), lambda i: (0, 0)),
            pl.BlockSpec((9, QUARTER), lambda i: (0, 0)),
            pl.BlockSpec((9, QUARTER), lambda i: (0, 0)),
            pl.BlockSpec((SEQ, QUARTER), lambda i: (0, 0)),
        ],
        out_specs=pl.BlockSpec((BS, batch, HID), lambda i: (i, 0, 0)),
        out_shape=jax.ShapeDtypeStruct((TC_ROWS, batch, HID), jnp.float32),
        compiler_params=pltpu.CompilerParams(
            dimension_semantics=("parallel",),
        ),
    )(row_embed, col_embed, box_embed, pos_embed)

    full = jnp.concatenate([tc_out, sc_out], axis=0)
    return jnp.transpose(full, (1, 0, 2))


def kernel(x, row_embed, col_embed, box_embed, pos_embed):
    batch = x.shape[0]
    return _run(row_embed, col_embed, box_embed, pos_embed, batch)

# --- scband reference (transcript-rebuilt; emitter-appended) ---
"""Pipeline reference for scband-sudoku-positional-encoding-52441550684581 (READ-ONLY COPY).

The authoritative reference and input builder live on the scoring server;
editing this copy changes nothing except your own understanding.
"""

import jax, jax.numpy as jnp
import numpy as np

HIDDEN_SIZE = 768
QUARTER = HIDDEN_SIZE // 4
BATCH = 1024
SEQ_LEN = 81


def setup_inputs(seed: int = 0) -> dict:
    key = jax.random.key(seed)
    k1, k2, k3, k4, k5 = jax.random.split(key, 5)
    x = jax.random.randint(k5, (BATCH, SEQ_LEN), 0, 10, dtype=jnp.int64 if jax.config.jax_enable_x64 else jnp.int32).astype(jnp.int32)
    row_embed = jax.random.normal(k1, (9, QUARTER), dtype=jnp.float32)
    col_embed = jax.random.normal(k2, (9, QUARTER), dtype=jnp.float32)
    box_embed = jax.random.normal(k3, (9, QUARTER), dtype=jnp.float32)
    pos_embed = jax.random.normal(k4, (81, QUARTER), dtype=jnp.float32)
    return {"x": x, "row_embed": row_embed, "col_embed": col_embed, "box_embed": box_embed, "pos_embed": pos_embed}


def reference(x, row_embed, col_embed, box_embed, pos_embed):
    B, seq_len = x.shape
    positions = jnp.arange(seq_len, dtype=jnp.int32)
    rows = positions // 9
    cols = positions % 9
    boxes = rows // 3 * 3 + cols // 3
    row_emb = jnp.take(row_embed, rows, axis=0)
    col_emb = jnp.take(col_embed, cols, axis=0)
    box_emb = jnp.take(box_embed, boxes, axis=0)
    pos_emb = jnp.take(pos_embed, positions, axis=0)
    pos_encoding = jnp.concatenate([row_emb, col_emb, box_emb, pos_emb], axis=-1)
    return jnp.broadcast_to(pos_encoding[None, :, :], (B, seq_len, pos_encoding.shape[-1]))

if __name__ == "__main__":
    import jax
    _d = setup_inputs()
    print(jax.jit(kernel)(*tuple(_d.values())))

</pallas_src>

<mosaic_0001>
#map = affine_map<(d0, d1) -> (0, 0, 0)>
module attributes {stable_mosaic.version = 14 : i64} {
  func.func @_sc_bcast(%arg0: i32, %arg1: i32, %arg2: memref<30x128x768xf32, #tpu.memory_space<hbm>>, %arg3: memref<30x1024x768xf32, #tpu.memory_space<hbm>>, %arg4: memref<128x768xf32, #tpu.memory_space<vmem>>, %arg5: memref<!tpu.dma_semaphore, #tpu.memory_space<semaphore_mem>>, %arg6: memref<!tpu.dma_semaphore, #tpu.memory_space<semaphore_mem>>) attributes {dimension_semantics = [#tpu.dimension_semantics<core_parallel>, #tpu.dimension_semantics<subcore_parallel>], iteration_bounds = array<i64: 2, 16>, scalar_prefetch = 0 : i64, scratch_operands = 3 : i64, tpu.core_type = #tpu.core_type<sc_vector_subcore>, window_params = [{transform_indices = #map}, {transform_indices = #map}]} {
    %mul3A = arith.constant 2 : i32
    %mul3A_0 = arith.muli %arg1, %mul3A : i32
    %add3A = arith.addi %mul3A_0, %arg0 : i32
    %lt3A = arith.constant 30 : i32
    %lt3A_1 = arith.cmpi slt, %add3A, %lt3A : i32
    %convert_element_type3A = arith.extui %lt3A_1 : i1 to i32
    %cond3A = arith.constant 0 : i32
    %cond3A_2 = arith.cmpi ne, %convert_element_type3A, %cond3A : i32
    scf.if %cond3A_2 {
      %dma_start3A = arith.constant 0 : i32
      %dma_start3A_3 = arith.constant 0 : i32
      %dma_start3A_4 = tpu.memref_slice %arg2[%add3A, %dma_start3A, %dma_start3A_3] : memref<30x128x768xf32, #tpu.memory_space<hbm>> -> memref<1x128x768xf32, #tpu.memory_space<hbm>>
      %dma_start3A_5 = tpu.memref_squeeze %dma_start3A_4 : memref<1x128x768xf32, #tpu.memory_space<hbm>> -> memref<128x768xf32, #tpu.memory_space<hbm>>
      %dma_start3A_6 = arith.constant 0 : i32
      %dma_start3A_7 = arith.constant 0 : i32
      %dma_start3A_8 = tpu.memref_slice %arg2[%add3A, %dma_start3A_6, %dma_start3A_7] : memref<30x128x768xf32, #tpu.memory_space<hbm>> -> memref<1x128x768xf32, #tpu.memory_space<hbm>>
      %dma_start3A_9 = tpu.memref_squeeze %dma_start3A_8 : memref<1x128x768xf32, #tpu.memory_space<hbm>> -> memref<128x768xf32, #tpu.memory_space<hbm>>
      tpu.enqueue_dma source(%dma_start3A_9 : memref<128x768xf32, #tpu.memory_space<hbm>>) target(%arg4 : memref<128x768xf32, #tpu.memory_space<vmem>>) target_semaphore(%arg5 : memref<!tpu.dma_semaphore, #tpu.memory_space<semaphore_mem>>)
      %dma_wait3A = arith.constant 0 : i32
      %dma_wait3A_10 = arith.constant 0 : i32
      %dma_wait3A_11 = tpu.memref_slice %arg2[%add3A, %dma_wait3A, %dma_wait3A_10] : memref<30x128x768xf32, #tpu.memory_space<hbm>> -> memref<1x128x768xf32, #tpu.memory_space<hbm>>
      %dma_wait3A_12 = tpu.memref_squeeze %dma_wait3A_11 : memref<1x128x768xf32, #tpu.memory_space<hbm>> -> memref<128x768xf32, #tpu.memory_space<hbm>>
      %dma_wait3A_13 = arith.constant 0 : i32
      %dma_wait3A_14 = arith.constant 0 : i32
      %dma_wait3A_15 = tpu.memref_slice %arg2[%add3A, %dma_wait3A_13, %dma_wait3A_14] : memref<30x128x768xf32, #tpu.memory_space<hbm>> -> memref<1x128x768xf32, #tpu.memory_space<hbm>>
      %dma_wait3A_16 = tpu.memref_squeeze %dma_wait3A_15 : memref<1x128x768xf32, #tpu.memory_space<hbm>> -> memref<128x768xf32, #tpu.memory_space<hbm>>
      tpu.wait_dma2 semaphore(%arg5 : memref<!tpu.dma_semaphore, #tpu.memory_space<semaphore_mem>>) src(%dma_wait3A_16 : memref<128x768xf32, #tpu.memory_space<hbm>>) dst(%arg4 : memref<128x768xf32, #tpu.memory_space<vmem>>)
      %dma_start3A_17 = arith.constant 0 : i32
      %dma_start3A_18 = arith.constant 0 : i32
      %dma_start3A_19 = tpu.memref_slice %arg3[%add3A, %dma_start3A_17, %dma_start3A_18] : memref<30x1024x768xf32, #tpu.memory_space<hbm>> -> memref<1x128x768xf32, #tpu.memory_space<hbm>>
      %dma_start3A_20 = tpu.memref_squeeze %dma_start3A_19 : memref<1x128x768xf32, #tpu.memory_space<hbm>> -> memref<128x768xf32, #tpu.memory_space<hbm>>
      %dma_start3A_21 = arith.constant 0 : i32
      %dma_start3A_22 = arith.constant 0 : i32
      %dma_start3A_23 = tpu.memref_slice %arg3[%add3A, %dma_start3A_21, %dma_start3A_22] : memref<30x1024x768xf32, #tpu.memory_space<hbm>> -> memref<1x128x768xf32, #tpu.memory_space<hbm>>
      %dma_start3A_24 = tpu.memref_squeeze %dma_start3A_23 : memref<1x128x768xf32, #tpu.memory_space<hbm>> -> memref<128x768xf32, #tpu.memory_space<hbm>>
      tpu.enqueue_dma source(%arg4 : memref<128x768xf32, #tpu.memory_space<vmem>>) target(%dma_start3A_24 : memref<128x768xf32, #tpu.memory_space<hbm>>) target_semaphore(%arg6 : memref<!tpu.dma_semaphore, #tpu.memory_space<semaphore_mem>>)
      %dma_start3A_25 = arith.constant 128 : i32
      %dma_start3A_26 = arith.constant 0 : i32
      %dma_start3A_27 = tpu.memref_slice %arg3[%add3A, %dma_start3A_25, %dma_start3A_26] : memref<30x1024x768xf32, #tpu.memory_space<hbm>> -> memref<1x128x768xf32, #tpu.memory_space<hbm>>
      %dma_start3A_28 = tpu.memref_squeeze %dma_start3A_27 : memref<1x128x768xf32, #tpu.memory_space<hbm>> -> memref<128x768xf32, #tpu.memory_space<hbm>>
      %dma_start3A_29 = arith.constant 128 : i32
      %dma_start3A_30 = arith.constant 0 : i32
      %dma_start3A_31 = tpu.memref_slice %arg3[%add3A, %dma_start3A_29, %dma_start3A_30] : memref<30x1024x768xf32, #tpu.memory_space<hbm>> -> memref<1x128x768xf32, #tpu.memory_space<hbm>>
      %dma_start3A_32 = tpu.memref_squeeze %dma_start3A_31 : memref<1x128x768xf32, #tpu.memory_space<hbm>> -> memref<128x768xf32, #tpu.memory_space<hbm>>
      tpu.enqueue_dma source(%arg4 : memref<128x768xf32, #tpu.memory_space<vmem>>) target(%dma_start3A_32 : memref<128x768xf32, #tpu.memory_space<hbm>>) target_semaphore(%arg6 : memref<!tpu.dma_semaphore, #tpu.memory_space<semaphore_mem>>)
      %dma_start3A_33 = arith.constant 256 : i32
      %dma_start3A_34 = arith.constant 0 : i32
      %dma_start3A_35 = tpu.memref_slice %arg3[%add3A, %dma_start3A_33, %dma_start3A_34] : memref<30x1024x768xf32, #tpu.memory_space<hbm>> -> memref<1x128x768xf32, #tpu.memory_space<hbm>>
      %dma_start3A_36 = tpu.memref_squeeze %dma_start3A_35 : memref<1x128x768xf32, #tpu.memory_space<hbm>> -> memref<128x768xf32, #tpu.memory_space<hbm>>
      %dma_start3A_37 = arith.constant 256 : i32
      %dma_start3A_38 = arith.constant 0 : i32
      %dma_start3A_39 = tpu.memref_slice %arg3[%add3A, %dma_start3A_37, %dma_start3A_38] : memref<30x1024x768xf32, #tpu.memory_space<hbm>> -> memref<1x128x768xf32, #tpu.memory_space<hbm>>
      %dma_start3A_40 = tpu.memref_squeeze %dma_start3A_39 : memref<1x128x768xf32, #tpu.memory_space<hbm>> -> memref<128x768xf32, #tpu.memory_space<hbm>>
      tpu.enqueue_dma source(%arg4 : memref<128x768xf32, #tpu.memory_space<vmem>>) target(%dma_start3A_40 : memref<128x768xf32, #tpu.memory_space<hbm>>) target_semaphore(%arg6 : memref<!tpu.dma_semaphore, #tpu.memory_space<semaphore_mem>>)
      %dma_start3A_41 = arith.constant 384 : i32
      %dma_start3A_42 = arith.constant 0 : i32
      %dma_start3A_43 = tpu.memref_slice %arg3[%add3A, %dma_start3A_41, %dma_start3A_42] : memref<30x1024x768xf32, #tpu.memory_space<hbm>> -> memref<1x128x768xf32, #tpu.memory_space<hbm>>
      %dma_start3A_44 = tpu.memref_squeeze %dma_start3A_43 : memref<1x128x768xf32, #tpu.memory_space<hbm>> -> memref<128x768xf32, #tpu.memory_space<hbm>>
      %dma_start3A_45 = arith.constant 384 : i32
      %dma_start3A_46 = arith.constant 0 : i32
      %dma_start3A_47 = tpu.memref_slice %arg3[%add3A, %dma_start3A_45, %dma_start3A_46] : memref<30x1024x768xf32, #tpu.memory_space<hbm>> -> memref<1x128x768xf32, #tpu.memory_space<hbm>>
      %dma_start3A_48 = tpu.memref_squeeze %dma_start3A_47 : memref<1x128x768xf32, #tpu.memory_space<hbm>> -> memref<128x768xf32, #tpu.memory_space<hbm>>
      tpu.enqueue_dma source(%arg4 : memref<128x768xf32, #tpu.memory_space<vmem>>) target(%dma_start3A_48 : memref<128x768xf32, #tpu.memory_space<hbm>>) target_semaphore(%arg6 : memref<!tpu.dma_semaphore, #tpu.memory_space<semaphore_mem>>)
      %dma_start3A_49 = arith.constant 512 : i32
      %dma_start3A_50 = arith.constant 0 : i32
      %dma_start3A_51 = tpu.memref_slice %arg3[%add3A, %dma_start3A_49, %dma_start3A_50] : memref<30x1024x768xf32, #tpu.memory_space<hbm>> -> memref<1x128x768xf32, #tpu.memory_space<hbm>>
      %dma_start3A_52 = tpu.memref_squeeze %dma_start3A_51 : memref<1x128x768xf32, #tpu.memory_space<hbm>> -> memref<128x768xf32, #tpu.memory_space<hbm>>
      %dma_start3A_53 = arith.constant 512 : i32
      %dma_start3A_54 = arith.constant 0 : i32
      %dma_start3A_55 = tpu.memref_slice %arg3[%add3A, %dma_start3A_53, %dma_start3A_54] : memref<30x1024x768xf32, #tpu.memory_space<hbm>> -> memref<1x128x768xf32, #tpu.memory_space<hbm>>
      %dma_start3A_56 = tpu.memref_squeeze %dma_start3A_55 : memref<1x128x768xf32, #tpu.memory_space<hbm>> -> memref<128x768xf32, #tpu.memory_space<hbm>>
      tpu.enqueue_dma source(%arg4 : memref<128x768xf32, #tpu.memory_space<vmem>>) target(%dma_start3A_56 : memref<128x768xf32, #tpu.memory_space<hbm>>) target_semaphore(%arg6 : memref<!tpu.dma_semaphore, #tpu.memory_space<semaphore_mem>>)
      %dma_start3A_57 = arith.constant 640 : i32
      %dma_start3A_58 = arith.constant 0 : i32
      %dma_start3A_59 = tpu.memref_slice %arg3[%add3A, %dma_start3A_57, %dma_start3A_58] : memref<30x1024x768xf32, #tpu.memory_space<hbm>> -> memref<1x128x768xf32, #tpu.memory_space<hbm>>
      %dma_start3A_60 = tpu.memref_squeeze %dma_start3A_59 : memref<1x128x768xf32, #tpu.memory_space<hbm>> -> memref<128x768xf32, #tpu.memory_space<hbm>>
      %dma_start3A_61 = arith.constant 640 : i32
      %dma_start3A_62 = arith.constant 0 : i32
      %dma_start3A_63 = tpu.memref_slice %arg3[%add3A, %dma_start3A_61, %dma_start3A_62] : memref<30x1024x768xf32, #tpu.memory_space<hbm>> -> memref<1x128x768xf32, #tpu.memory_space<hbm>>
      %dma_start3A_64 = tpu.memref_squeeze %dma_start3A_63 : memref<1x128x768xf32, #tpu.memory_space<hbm>> -> memref<128x768xf32, #tpu.memory_space<hbm>>
      tpu.enqueue_dma source(%arg4 : memref<128x768xf32, #tpu.memory_space<vmem>>) target(%dma_start3A_64 : memref<128x768xf32, #tpu.memory_space<hbm>>) target_semaphore(%arg6 : memref<!tpu.dma_semaphore, #tpu.memory_space<semaphore_mem>>)
      %dma_start3A_65 = arith.constant 768 : i32
      %dma_start3A_66 = arith.constant 0 : i32
      %dma_start3A_67 = tpu.memref_slice %arg3[%add3A, %dma_start3A_65, %dma_start3A_66] : memref<30x1024x768xf32, #tpu.memory_space<hbm>> -> memref<1x128x768xf32, #tpu.memory_space<hbm>>
      %dma_start3A_68 = tpu.memref_squeeze %dma_start3A_67 : memref<1x128x768xf32, #tpu.memory_space<hbm>> -> memref<128x768xf32, #tpu.memory_space<hbm>>
      %dma_start3A_69 = arith.constant 768 : i32
      %dma_start3A_70 = arith.constant 0 : i32
      %dma_start3A_71 = tpu.memref_slice %arg3[%add3A, %dma_start3A_69, %dma_start3A_70] : memref<30x1024x768xf32, #tpu.memory_space<hbm>> -> memref<1x128x768xf32, #tpu.memory_space<hbm>>
      %dma_start3A_72 = tpu.memref_squeeze %dma_start3A_71 : memref<1x128x768xf32, #tpu.memory_space<hbm>> -> memref<128x768xf32, #tpu.memory_space<hbm>>
      tpu.enqueue_dma source(%arg4 : memref<128x768xf32, #tpu.memory_space<vmem>>) target(%dma_start3A_72 : memref<128x768xf32, #tpu.memory_space<hbm>>) target_semaphore(%arg6 : memref<!tpu.dma_semaphore, #tpu.memory_space<semaphore_mem>>)
      %dma_start3A_73 = arith.constant 896 : i32
      %dma_start3A_74 = arith.constant 0 : i32
      %dma_start3A_75 = tpu.memref_slice %arg3[%add3A, %dma_start3A_73, %dma_start3A_74] : memref<30x1024x768xf32, #tpu.memory_space<hbm>> -> memref<1x128x768xf32, #tpu.memory_space<hbm>>
      %dma_start3A_76 = tpu.memref_squeeze %dma_start3A_75 : memref<1x128x768xf32, #tpu.memory_space<hbm>> -> memref<128x768xf32, #tpu.memory_space<hbm>>
      %dma_start3A_77 = arith.constant 896 : i32
      %dma_start3A_78 = arith.constant 0 : i32
      %dma_start3A_79 = tpu.memref_slice %arg3[%add3A, %dma_start3A_77, %dma_start3A_78] : memref<30x1024x768xf32, #tpu.memory_space<hbm>> -> memref<1x128x768xf32, #tpu.memory_space<hbm>>
      %dma_start3A_80 = tpu.memref_squeeze %dma_start3A_79 : memref<1x128x768xf32, #tpu.memory_space<hbm>> -> memref<128x768xf32, #tpu.memory_space<hbm>>
      tpu.enqueue_dma source(%arg4 : memref<128x768xf32, #tpu.memory_space<vmem>>) target(%dma_start3A_80 : memref<128x768xf32, #tpu.memory_space<hbm>>) target_semaphore(%arg6 : memref<!tpu.dma_semaphore, #tpu.memory_space<semaphore_mem>>)
      %dma_wait3A_81 = arith.constant 0 : i32
      %dma_wait3A_82 = arith.constant 0 : i32
      %dma_wait3A_83 = tpu.memref_slice %arg3[%add3A, %dma_wait3A_81, %dma_wait3A_82] : memref<30x1024x768xf32, #tpu.memory_space<hbm>> -> memref<1x128x768xf32, #tpu.memory_space<hbm>>
      %dma_wait3A_84 = tpu.memref_squeeze %dma_wait3A_83 : memref<1x128x768xf32, #tpu.memory_space<hbm>> -> memref<128x768xf32, #tpu.memory_space<hbm>>
      %dma_wait3A_85 = arith.constant 0 : i32
      %dma_wait3A_86 = arith.constant 0 : i32
      %dma_wait3A_87 = tpu.memref_slice %arg3[%add3A, %dma_wait3A_85, %dma_wait3A_86] : memref<30x1024x768xf32, #tpu.memory_space<hbm>> -> memref<1x128x768xf32, #tpu.memory_space<hbm>>
      %dma_wait3A_88 = tpu.memref_squeeze %dma_wait3A_87 : memref<1x128x768xf32, #tpu.memory_space<hbm>> -> memref<128x768xf32, #tpu.memory_space<hbm>>
      tpu.wait_dma2 semaphore(%arg6 : memref<!tpu.dma_semaphore, #tpu.memory_space<semaphore_mem>>) src(%arg4 : memref<128x768xf32, #tpu.memory_space<vmem>>) dst(%dma_wait3A_88 : memref<128x768xf32, #tpu.memory_space<hbm>>)
      %dma_wait3A_89 = arith.constant 128 : i32
      %dma_wait3A_90 = arith.constant 0 : i32
      %dma_wait3A_91 = tpu.memref_slice %arg3[%add3A, %dma_wait3A_89, %dma_wait3A_90] : memref<30x1024x768xf32, #tpu.memory_space<hbm>> -> memref<1x128x768xf32, #tpu.memory_space<hbm>>
      %dma_wait3A_92 = tpu.memref_squeeze %dma_wait3A_91 : memref<1x128x768xf32, #tpu.memory_space<hbm>> -> memref<128x768xf32, #tpu.memory_space<hbm>>
      %dma_wait3A_93 = arith.constant 128 : i32
      %dma_wait3A_94 = arith.constant 0 : i32
      %dma_wait3A_95 = tpu.memref_slice %arg3[%add3A, %dma_wait3A_93, %dma_wait3A_94] : memref<30x1024x768xf32, #tpu.memory_space<hbm>> -> memref<1x128x768xf32, #tpu.memory_space<hbm>>
      %dma_wait3A_96 = tpu.memref_squeeze %dma_wait3A_95 : memref<1x128x768xf32, #tpu.memory_space<hbm>> -> memref<128x768xf32, #tpu.memory_space<hbm>>
      tpu.wait_dma2 semaphore(%arg6 : memref<!tpu.dma_semaphore, #tpu.memory_space<semaphore_mem>>) src(%arg4 : memref<128x768xf32, #tpu.memory_space<vmem>>) dst(%dma_wait3A_96 : memref<128x768xf32, #tpu.memory_space<hbm>>)
      %dma_wait3A_97 = arith.constant 256 : i32
      %dma_wait3A_98 = arith.constant 0 : i32
      %dma_wait3A_99 = tpu.memref_slice %arg3[%add3A, %dma_wait3A_97, %dma_wait3A_98] : memref<30x1024x768xf32, #tpu.memory_space<hbm>> -> memref<1x128x768xf32, #tpu.memory_space<hbm>>
      %dma_wait3A_100 = tpu.memref_squeeze %dma_wait3A_99 : memref<1x128x768xf32, #tpu.memory_space<hbm>> -> memref<128x768xf32, #tpu.memory_space<hbm>>
      %dma_wait3A_101 = arith.constant 256 : i32
      %dma_wait3A_102 = arith.constant 0 : i32
      %dma_wait3A_103 = tpu.memref_slice %arg3[%add3A, %dma_wait3A_101, %dma_wait3A_102] : memref<30x1024x768xf32, #tpu.memory_space<hbm>> -> memref<1x128x768xf32, #tpu.memory_space<hbm>>
      %dma_wait3A_104 = tpu.memref_squeeze %dma_wait3A_103 : memref<1x128x768xf32, #tpu.memory_space<hbm>> -> memref<128x768xf32, #tpu.memory_space<hbm>>
      tpu.wait_dma2 semaphore(%arg6 : memref<!tpu.dma_semaphore, #tpu.memory_space<semaphore_mem>>) src(%arg4 : memref<128x768xf32, #tpu.memory_space<vmem>>) dst(%dma_wait3A_104 : memref<128x768xf32, #tpu.memory_space<hbm>>)
      %dma_wait3A_105 = arith.constant 384 : i32
      %dma_wait3A_106 = arith.constant 0 : i32
      %dma_wait3A_107 = tpu.memref_slice %arg3[%add3A, %dma_wait3A_105, %dma_wait3A_106] : memref<30x1024x768xf32, #tpu.memory_space<hbm>> -> memref<1x128x768xf32, #tpu.memory_space<hbm>>
      %dma_wait3A_108 = tpu.memref_squeeze %dma_wait3A_107 : memref<1x128x768xf32, #tpu.memory_space<hbm>> -> memref<128x768xf32, #tpu.memory_space<hbm>>
      %dma_wait3A_109 = arith.constant 384 : i32
      %dma_wait3A_110 = arith.constant 0 : i32
      %dma_wait3A_111 = tpu.memref_slice %arg3[%add3A, %dma_wait3A_109, %dma_wait3A_110] : memref<30x1024x768xf32, #tpu.memory_space<hbm>> -> memref<1x128x768xf32, #tpu.memory_space<hbm>>
      %dma_wait3A_112 = tpu.memref_squeeze %dma_wait3A_111 : memref<1x128x768xf32, #tpu.memory_space<hbm>> -> memref<128x768xf32, #tpu.memory_space<hbm>>
      tpu.wait_dma2 semaphore(%arg6 : memref<!tpu.dma_semaphore, #tpu.memory_space<semaphore_mem>>) src(%arg4 : memref<128x768xf32, #tpu.memory_space<vmem>>) dst(%dma_wait3A_112 : memref<128x768xf32, #tpu.memory_space<hbm>>)
      %dma_wait3A_113 = arith.constant 512 : i32
      %dma_wait3A_114 = arith.constant 0 : i32
      %dma_wait3A_115 = tpu.memref_slice %arg3[%add3A, %dma_wait3A_113, %dma_wait3A_114] : memref<30x1024x768xf32, #tpu.memory_space<hbm>> -> memref<1x128x768xf32, #tpu.memory_space<hbm>>
      %dma_wait3A_116 = tpu.memref_squeeze %dma_wait3A_115 : memref<1x128x768xf32, #tpu.memory_space<hbm>> -> memref<128x768xf32, #tpu.memory_space<hbm>>
      %dma_wait3A_117 = arith.constant 512 : i32
      %dma_wait3A_118 = arith.constant 0 : i32
      %dma_wait3A_119 = tpu.memref_slice %arg3[%add3A, %dma_wait3A_117, %dma_wait3A_118] : memref<30x1024x768xf32, #tpu.memory_space<hbm>> -> memref<1x128x768xf32, #tpu.memory_space<hbm>>
      %dma_wait3A_120 = tpu.memref_squeeze %dma_wait3A_119 : memref<1x128x768xf32, #tpu.memory_space<hbm>> -> memref<128x768xf32, #tpu.memory_space<hbm>>
      tpu.wait_dma2 semaphore(%arg6 : memref<!tpu.dma_semaphore, #tpu.memory_space<semaphore_mem>>) src(%arg4 : memref<128x768xf32, #tpu.memory_space<vmem>>) dst(%dma_wait3A_120 : memref<128x768xf32, #tpu.memory_space<hbm>>)
      %dma_wait3A_121 = arith.constant 640 : i32
      %dma_wait3A_122 = arith.constant 0 : i32
      %dma_wait3A_123 = tpu.memref_slice %arg3[%add3A, %dma_wait3A_121, %dma_wait3A_122] : memref<30x1024x768xf32, #tpu.memory_space<hbm>> -> memref<1x128x768xf32, #tpu.memory_space<hbm>>
      %dma_wait3A_124 = tpu.memref_squeeze %dma_wait3A_123 : memref<1x128x768xf32, #tpu.memory_space<hbm>> -> memref<128x768xf32, #tpu.memory_space<hbm>>
      %dma_wait3A_125 = arith.constant 640 : i32
      %dma_wait3A_126 = arith.constant 0 : i32
      %dma_wait3A_127 = tpu.memref_slice %arg3[%add3A, %dma_wait3A_125, %dma_wait3A_126] : memref<30x1024x768xf32, #tpu.memory_space<hbm>> -> memref<1x128x768xf32, #tpu.memory_space<hbm>>
      %dma_wait3A_128 = tpu.memref_squeeze %dma_wait3A_127 : memref<1x128x768xf32, #tpu.memory_space<hbm>> -> memref<128x768xf32, #tpu.memory_space<hbm>>
      tpu.wait_dma2 semaphore(%arg6 : memref<!tpu.dma_semaphore, #tpu.memory_space<semaphore_mem>>) src(%arg4 : memref<128x768xf32, #tpu.memory_space<vmem>>) dst(%dma_wait3A_128 : memref<128x768xf32, #tpu.memory_space<hbm>>)
      %dma_wait3A_129 = arith.constant 768 : i32
      %dma_wait3A_130 = arith.constant 0 : i32
      %dma_wait3A_131 = tpu.memref_slice %arg3[%add3A, %dma_wait3A_129, %dma_wait3A_130] : memref<30x1024x768xf32, #tpu.memory_space<hbm>> -> memref<1x128x768xf32, #tpu.memory_space<hbm>>
      %dma_wait3A_132 = tpu.memref_squeeze %dma_wait3A_131 : memref<1x128x768xf32, #tpu.memory_space<hbm>> -> memref<128x768xf32, #tpu.memory_space<hbm>>
      %dma_wait3A_133 = arith.constant 768 : i32
      %dma_wait3A_134 = arith.constant 0 : i32
      %dma_wait3A_135 = tpu.memref_slice %arg3[%add3A, %dma_wait3A_133, %dma_wait3A_134] : memref<30x1024x768xf32, #tpu.memory_space<hbm>> -> memref<1x128x768xf32, #tpu.memory_space<hbm>>
      %dma_wait3A_136 = tpu.memref_squeeze %dma_wait3A_135 : memref<1x128x768xf32, #tpu.memory_space<hbm>> -> memref<128x768xf32, #tpu.memory_space<hbm>>
      tpu.wait_dma2 semaphore(%arg6 : memref<!tpu.dma_semaphore, #tpu.memory_space<semaphore_mem>>) src(%arg4 : memref<128x768xf32, #tpu.memory_space<vmem>>) dst(%dma_wait3A_136 : memref<128x768xf32, #tpu.memory_space<hbm>>)
      %dma_wait3A_137 = arith.constant 896 : i32
      %dma_wait3A_138 = arith.constant 0 : i32
      %dma_wait3A_139 = tpu.memref_slice %arg3[%add3A, %dma_wait3A_137, %dma_wait3A_138] : memref<30x1024x768xf32, #tpu.memory_space<hbm>> -> memref<1x128x768xf32, #tpu.memory_space<hbm>>
      %dma_wait3A_140 = tpu.memref_squeeze %dma_wait3A_139 : memref<1x128x768xf32, #tpu.memory_space<hbm>> -> memref<128x768xf32, #tpu.memory_space<hbm>>
      %dma_wait3A_141 = arith.constant 896 : i32
      %dma_wait3A_142 = arith.constant 0 : i32
      %dma_wait3A_143 = tpu.memref_slice %arg3[%add3A, %dma_wait3A_141, %dma_wait3A_142] : memref<30x1024x768xf32, #tpu.memory_space<hbm>> -> memref<1x128x768xf32, #tpu.memory_space<hbm>>
      %dma_wait3A_144 = tpu.memref_squeeze %dma_wait3A_143 : memref<1x128x768xf32, #tpu.memory_space<hbm>> -> memref<128x768xf32, #tpu.memory_space<hbm>>
      tpu.wait_dma2 semaphore(%arg6 : memref<!tpu.dma_semaphore, #tpu.memory_space<semaphore_mem>>) src(%arg4 : memref<128x768xf32, #tpu.memory_space<vmem>>) dst(%dma_wait3A_144 : memref<128x768xf32, #tpu.memory_space<hbm>>)
    } else {
    }
    return
  }
}

module attributes {stable_mosaic.version = 14 : i64} {
  func.func @_enc_rep_kernel(%arg0: memref<9x192xf32, #tpu.memory_space<vmem>>, %arg1: memref<9x192xf32, #tpu.memory_space<vmem>>, %arg2: memref<9x192xf32, #tpu.memory_space<vmem>>, %arg3: memref<81x192xf32, #tpu.memory_space<vmem>>, %arg4: memref<30x128x768xf32, #tpu.memory_space<vmem>>) attributes {dimension_semantics = [], scalar_prefetch = 0 : i64, scratch_operands = 0 : i64, tpu.core_type = #tpu.core_type<tc>} {
    %get3A = arith.constant 0 : index
    %get3A_0 = arith.constant 0 : index
    %get3A_1 = vector.load %arg0[%get3A, %get3A_0] : memref<9x192xf32, #tpu.memory_space<vmem>>, vector<9x192xf32>
    %get3A_2 = arith.constant 0 : index
    %get3A_3 = arith.constant 0 : index
    %get3A_4 = vector.load %arg1[%get3A_2, %get3A_3] : memref<9x192xf32, #tpu.memory_space<vmem>>, vector<9x192xf32>
    %get3A_5 = arith.constant 0 : index
    %get3A_6 = arith.constant 0 : index
    %get3A_7 = vector.load %arg2[%get3A_5, %get3A_6] : memref<9x192xf32, #tpu.memory_space<vmem>>, vector<9x192xf32>
    %get3A_8 = arith.constant 0 : index
    %get3A_9 = arith.constant 0 : index
    %get3A_10 = vector.load %arg3[%get3A_8, %get3A_9] : memref<81x192xf32, #tpu.memory_space<vmem>>, vector<81x192xf32>
    %broadcast_in_dim3A = vector.shape_cast %get3A_1 : vector<9x192xf32> to vector<9x1x192xf32>
    %broadcast_in_dim3A_11 = vector.shape_cast %broadcast_in_dim3A : vector<9x1x192xf32> to vector<9x1x192xf32>
    %broadcast_in_dim3A_12 = vector.broadcast %broadcast_in_dim3A_11 : vector<9x1x192xf32> to vector<9x9x192xf32>
    %reshape3A = vector.shape_cast %broadcast_in_dim3A_12 : vector<9x9x192xf32> to vector<81x192xf32>
    %broadcast_in_dim3A_13 = vector.shape_cast %get3A_4 : vector<9x192xf32> to vector<1x9x192xf32>
    %broadcast_in_dim3A_14 = vector.shape_cast %broadcast_in_dim3A_13 : vector<1x9x192xf32> to vector<1x9x192xf32>
    %broadcast_in_dim3A_15 = vector.broadcast %broadcast_in_dim3A_14 : vector<1x9x192xf32> to vector<9x9x192xf32>
    %reshape3A_16 = vector.shape_cast %broadcast_in_dim3A_15 : vector<9x9x192xf32> to vector<81x192xf32>
    %reshape3A_17 = vector.shape_cast %get3A_7 : vector<9x192xf32> to vector<3x3x192xf32>
    %broadcast_in_dim3A_18 = vector.shape_cast %reshape3A_17 : vector<3x3x192xf32> to vector<3x1x3x1x192xf32>
    %broadcast_in_dim3A_19 = vector.shape_cast %broadcast_in_dim3A_18 : vector<3x1x3x1x192xf32> to vector<3x1x3x1x192xf32>
    %broadcast_in_dim3A_20 = vector.broadcast %broadcast_in_dim3A_19 : vector<3x1x3x1x192xf32> to vector<3x3x3x3x192xf32>
    %reshape3A_21 = vector.shape_cast %broadcast_in_dim3A_20 : vector<3x3x3x3x192xf32> to vector<81x192xf32>
    %concatenate3A = tpu.concatenate %reshape3A, %reshape3A_16, %reshape3A_21, %get3A_10 in 1 : vector<81x192xf32>, vector<81x192xf32>, vector<81x192xf32>, vector<81x192xf32> -> vector<81x768xf32>
    %slice3A = vector.extract_strided_slice %concatenate3A {offsets = [51, 0], sizes = [30, 768], strides = [1, 1]} : vector<81x768xf32> to vector<30x768xf32>
    %broadcast_in_dim3A_22 = vector.shape_cast %slice3A : vector<30x768xf32> to vector<30x1x768xf32>
    %broadcast_in_dim3A_23 = vector.shape_cast %broadcast_in_dim3A_22 : vector<30x1x768xf32> to vector<30x1x768xf32>
    %broadcast_in_dim3A_24 = vector.broadcast %broadcast_in_dim3A_23 : vector<30x1x768xf32> to vector<30x128x768xf32>
    %swap3A = arith.constant 0 : index
    %swap3A_25 = arith.constant 0 : index
    %swap3A_26 = arith.constant 0 : index
    %swap3A_27 = vector.load %arg4[%swap3A, %swap3A_25, %swap3A_26] : memref<30x128x768xf32, #tpu.memory_space<vmem>>, vector<30x128x768xf32>
    tpu.vector_store %arg4[%swap3A, %swap3A_25, %swap3A_26], %broadcast_in_dim3A_24 {strides = array<i32>} : memref<30x128x768xf32, #tpu.memory_space<vmem>>, vector<30x128x768xf32>,
    return
  }
}

module attributes {stable_mosaic.version = 14 : i64} {
  func.func @_bcast_kernel(%arg0: i32, %arg1: memref<9x192xf32, #tpu.memory_space<vmem>>, %arg2: memref<9x192xf32, #tpu.memory_space<vmem>>, %arg3: memref<9x192xf32, #tpu.memory_space<vmem>>, %arg4: memref<81x192xf32, #tpu.memory_space<vmem>>, %arg5: memref<3x1024x768xf32, #tpu.memory_space<vmem>>) attributes {dimension_semantics = [#tpu.dimension_semantics<parallel>], iteration_bounds = array<i64: 17>, scalar_prefetch = 0 : i64, scratch_operands = 0 : i64, tpu.core_type = #tpu.core_type<tc>, window_params = [{pipeline_mode = #tpu.pipeline_mode<synchronous>, transform_indices = @transform_0, window_bounds = array<i64: 9, 192>}, {pipeline_mode = #tpu.pipeline_mode<synchronous>, transform_indices = @transform_1, window_bounds = array<i64: 9, 192>}, {pipeline_mode = #tpu.pipeline_mode<synchronous>, transform_indices = @transform_2, window_bounds = array<i64: 9, 192>}, {pipeline_mode = #tpu.pipeline_mode<synchronous>, transform_indices = @transform_3, window_bounds = array<i64: 81, 192>}, {transform_indices = @transform_4, window_bounds = array<i64: 3, 1024, 768>}]} {
    %mul3A = arith.constant 3 : i32
    %mul3A_0 = arith.muli %arg0, %mul3A : i32
    %iota3A = tpu.iota {dimensions = array<i32: 1>} : vector<1x3xi32>
    %iota3A_1 = vector.shape_cast %iota3A : vector<1x3xi32> to vector<3xi32>
    %add3A = vector.broadcast %mul3A_0 : i32 to vector<3xi32>
    %add3A_2 = arith.addi %add3A, %iota3A_1 : vector<3xi32>
    %jit3A = arith.constant 9 : i32
    %div3A = vector.broadcast %jit3A : i32 to vector<3xi32>
    %div3A_3 = arith.divsi %add3A_2, %div3A : vector<3xi32>
    %sign3A = arith.constant 0 : i32
    %sign3A_4 = vector.broadcast %sign3A : i32 to vector<3xi32>
    %sign3A_5 = arith.cmpi sgt, %add3A_2, %sign3A_4 : vector<3xi32>
    %sign3A_6 = arith.extui %sign3A_5 : vector<3xi1> to vector<3xi32>
    %sign3A_7 = arith.constant 0 : i32
    %sign3A_8 = vector.broadcast %sign3A_7 : i32 to vector<3xi32>
    %sign3A_9 = arith.cmpi slt, %add3A_2, %sign3A_8 : vector<3xi32>
    %sign3A_10 = arith.extui %sign3A_9 : vector<3xi1> to vector<3xi32>
    %sign3A_11 = arith.subi %sign3A_6, %sign3A_10 : vector<3xi32>
    %sign3A_12 = arith.constant 0 : i32
    %sign3A_13 = arith.cmpi sgt, %jit3A, %sign3A_12 : i32
    %sign3A_14 = arith.extui %sign3A_13 : i1 to i32
    %sign3A_15 = arith.constant 0 : i32
    %sign3A_16 = arith.cmpi slt, %jit3A, %sign3A_15 : i32
    %sign3A_17 = arith.extui %sign3A_16 : i1 to i32
    %sign3A_18 = arith.subi %sign3A_14, %sign3A_17 : i32
    %ne3A = vector.broadcast %sign3A_18 : i32 to vector<3xi32>
    %ne3A_19 = arith.cmpi ne, %sign3A_11, %ne3A : vector<3xi32>
    %rem3A = vector.broadcast %jit3A : i32 to vector<3xi32>
    %rem3A_20 = arith.remsi %add3A_2, %rem3A : vector<3xi32>
    %ne3A_21 = arith.constant 0 : i32
    %ne3A_22 = vector.broadcast %ne3A_21 : i32 to vector<3xi32>
    %ne3A_23 = arith.cmpi ne, %rem3A_20, %ne3A_22 : vector<3xi32>
    %and3A = arith.andi %ne3A_19, %ne3A_23 : vector<3xi1>
    %sub3A = arith.constant 1 : i32
    %sub3A_24 = vector.broadcast %sub3A : i32 to vector<3xi32>
    %sub3A_25 = arith.subi %div3A_3, %sub3A_24 : vector<3xi32>
    %select_n3A = arith.select %and3A, %sub3A_25, %div3A_3 : vector<3xi1>, vector<3xi32>
    %jit3A_26 = arith.constant 9 : i32
    %eq3A = arith.constant 0 : i32
    %eq3A_27 = arith.cmpi eq, %jit3A_26, %eq3A : i32
    %jit3A_28 = arith.constant 1 : i32
    %select_n3A_29 = arith.select %eq3A_27, %jit3A_28, %jit3A_26 : i32
    %rem3A_30 = vector.broadcast %select_n3A_29 : i32 to vector<3xi32>
    %rem3A_31 = arith.remsi %add3A_2, %rem3A_30 : vector<3xi32>
    %ne3A_32 = arith.constant 0 : i32
    %ne3A_33 = vector.broadcast %ne3A_32 : i32 to vector<3xi32>
    %ne3A_34 = arith.cmpi ne, %rem3A_31, %ne3A_33 : vector<3xi32>
    %lt3A = arith.constant 0 : i32
    %lt3A_35 = vector.broadcast %lt3A : i32 to vector<3xi32>
    %lt3A_36 = arith.cmpi slt, %rem3A_31, %lt3A_35 : vector<3xi32>
    %lt3A_37 = arith.constant 0 : i32
    %lt3A_38 = arith.cmpi slt, %select_n3A_29, %lt3A_37 : i32
    %ne3A_39 = vector.broadcast %lt3A_38 : i1 to vector<3xi1>
    %ne3A_40 = vector.broadcast %ne3A_39 : vector<3xi1> to vector<3xi1>
    %ne3A_41 = arith.xori %lt3A_36, %ne3A_40 : vector<3xi1>
    %and3A_42 = arith.andi %ne3A_41, %ne3A_34 : vector<3xi1>
    %add3A_43 = vector.broadcast %select_n3A_29 : i32 to vector<3xi32>
    %add3A_44 = arith.addi %rem3A_31, %add3A_43 : vector<3xi32>
    %select_n3A_45 = arith.select %and3A_42, %add3A_44, %rem3A_31 : vector<3xi1>, vector<3xi32>
    %jit3A_46 = arith.constant 3 : i32
    %div3A_47 = vector.broadcast %jit3A_46 : i32 to vector<3xi32>
    %div3A_48 = arith.divsi %select_n3A, %div3A_47 : vector<3xi32>
    %sign3A_49 = arith.constant 0 : i32
    %sign3A_50 = vector.broadcast %sign3A_49 : i32 to vector<3xi32>
    %sign3A_51 = arith.cmpi sgt, %select_n3A, %sign3A_50 : vector<3xi32>
    %sign3A_52 = arith.extui %sign3A_51 : vector<3xi1> to vector<3xi32>
    %sign3A_53 = arith.constant 0 : i32
    %sign3A_54 = vector.broadcast %sign3A_53 : i32 to vector<3xi32>
    %sign3A_55 = arith.cmpi slt, %select_n3A, %sign3A_54 : vector<3xi32>
    %sign3A_56 = arith.extui %sign3A_55 : vector<3xi1> to vector<3xi32>
    %sign3A_57 = arith.subi %sign3A_52, %sign3A_56 : vector<3xi32>
    %sign3A_58 = arith.constant 0 : i32
    %sign3A_59 = arith.cmpi sgt, %jit3A_46, %sign3A_58 : i32
    %sign3A_60 = arith.extui %sign3A_59 : i1 to i32
    %sign3A_61 = arith.constant 0 : i32
    %sign3A_62 = arith.cmpi slt, %jit3A_46, %sign3A_61 : i32
    %sign3A_63 = arith.extui %sign3A_62 : i1 to i32
    %sign3A_64 = arith.subi %sign3A_60, %sign3A_63 : i32
    %ne3A_65 = vector.broadcast %sign3A_64 : i32 to vector<3xi32>
    %ne3A_66 = arith.cmpi ne, %sign3A_57, %ne3A_65 : vector<3xi32>
    %rem3A_67 = vector.broadcast %jit3A_46 : i32 to vector<3xi32>
    %rem3A_68 = arith.remsi %select_n3A, %rem3A_67 : vector<3xi32>
    %ne3A_69 = arith.constant 0 : i32
    %ne3A_70 = vector.broadcast %ne3A_69 : i32 to vector<3xi32>
    %ne3A_71 = arith.cmpi ne, %rem3A_68, %ne3A_70 : vector<3xi32>
    %and3A_72 = arith.andi %ne3A_66, %ne3A_71 : vector<3xi1>
    %sub3A_73 = arith.constant 1 : i32
    %sub3A_74 = vector.broadcast %sub3A_73 : i32 to vector<3xi32>
    %sub3A_75 = arith.subi %div3A_48, %sub3A_74 : vector<3xi32>
    %select_n3A_76 = arith.select %and3A_72, %sub3A_75, %div3A_48 : vector<3xi1>, vector<3xi32>
    %mul3A_77 = arith.constant 3 : i32
    %mul3A_78 = vector.broadcast %mul3A_77 : i32 to vector<3xi32>
    %mul3A_79 = arith.muli %select_n3A_76, %mul3A_78 : vector<3xi32>
    %jit3A_80 = arith.constant 3 : i32
    %div3A_81 = vector.broadcast %jit3A_80 : i32 to vector<3xi32>
    %div3A_82 = arith.divsi %select_n3A_45, %div3A_81 : vector<3xi32>
    %sign3A_83 = arith.constant 0 : i32
    %sign3A_84 = vector.broadcast %sign3A_83 : i32 to vector<3xi32>
    %sign3A_85 = arith.cmpi sgt, %select_n3A_45, %sign3A_84 : vector<3xi32>
    %sign3A_86 = arith.extui %sign3A_85 : vector<3xi1> to vector<3xi32>
    %sign3A_87 = arith.constant 0 : i32
    %sign3A_88 = vector.broadcast %sign3A_87 : i32 to vector<3xi32>
    %sign3A_89 = arith.cmpi slt, %select_n3A_45, %sign3A_88 : vector<3xi32>
    %sign3A_90 = arith.extui %sign3A_89 : vector<3xi1> to vector<3xi32>
    %sign3A_91 = arith.subi %sign3A_86, %sign3A_90 : vector<3xi32>
    %sign3A_92 = arith.constant 0 : i32
    %sign3A_93 = arith.cmpi sgt, %jit3A_80, %sign3A_92 : i32
    %sign3A_94 = arith.extui %sign3A_93 : i1 to i32
    %sign3A_95 = arith.constant 0 : i32
    %sign3A_96 = arith.cmpi slt, %jit3A_80, %sign3A_95 : i32
    %sign3A_97 = arith.extui %sign3A_96 : i1 to i32
    %sign3A_98 = arith.subi %sign3A_94, %sign3A_97 : i32
    %ne3A_99 = vector.broadcast %sign3A_98 : i32 to vector<3xi32>
    %ne3A_100 = arith.cmpi ne, %sign3A_91, %ne3A_99 : vector<3xi32>
    %rem3A_101 = vector.broadcast %jit3A_80 : i32 to vector<3xi32>
    %rem3A_102 = arith.remsi %select_n3A_45, %rem3A_101 : vector<3xi32>
    %ne3A_103 = arith.constant 0 : i32
    %ne3A_104 = vector.broadcast %ne3A_103 : i32 to vector<3xi32>
    %ne3A_105 = arith.cmpi ne, %rem3A_102, %ne3A_104 : vector<3xi32>
    %and3A_106 = arith.andi %ne3A_100, %ne3A_105 : vector<3xi1>
    %sub3A_107 = arith.constant 1 : i32
    %sub3A_108 = vector.broadcast %sub3A_107 : i32 to vector<3xi32>
    %sub3A_109 = arith.subi %div3A_82, %sub3A_108 : vector<3xi32>
    %select_n3A_110 = arith.select %and3A_106, %sub3A_109, %div3A_82 : vector<3xi1>, vector<3xi32>
    %add3A_111 = arith.addi %mul3A_79, %select_n3A_110 : vector<3xi32>
    %get3A = arith.constant 0 : index
    %get3A_112 = arith.constant 0 : index
    %get3A_113 = vector.load %arg1[%get3A, %get3A_112] : memref<9x192xf32, #tpu.memory_space<vmem>>, vector<9x192xf32>
    %iota3A_114 = tpu.iota {dimensions = array<i32: 1>} : vector<3x9xi32>
    %broadcast_in_dim3A = vector.shape_cast %select_n3A : vector<3xi32> to vector<3x1xi32>
    %eq3A_115 = vector.broadcast %broadcast_in_dim3A : vector<3x1xi32> to vector<3x9xi32>
    %eq3A_116 = arith.cmpi eq, %iota3A_114, %eq3A_115 : vector<3x9xi32>
    %convert_element_type3A = arith.extui %eq3A_116 : vector<3x9xi1> to vector<3x9xi32>
    %convert_element_type3A_117 = arith.sitofp %convert_element_type3A : vector<3x9xi32> to vector<3x9xf32>
    %dot_general3A = arith.constant dense<0.000000e+00> : vector<3x192xf32>
    %dot_general3A_118 = tpu.matmul %convert_element_type3A_117, %get3A_113, %dot_general3A {dimension_numbers = #tpu.dot_dimension_numbers<[1], [0], [0], [1], [0, 0, 1, 1], [], []>, transpose_lhs_hint = false} : vector<3x9xf32>, vector<9x192xf32>, vector<3x192xf32> -> vector<3x192xf32>
    %get3A_119 = arith.constant 0 : index
    %get3A_120 = arith.constant 0 : index
    %get3A_121 = vector.load %arg2[%get3A_119, %get3A_120] : memref<9x192xf32, #tpu.memory_space<vmem>>, vector<9x192xf32>
    %iota3A_122 = tpu.iota {dimensions = array<i32: 1>} : vector<3x9xi32>
    %broadcast_in_dim3A_123 = vector.shape_cast %select_n3A_45 : vector<3xi32> to vector<3x1xi32>
    %eq3A_124 = vector.broadcast %broadcast_in_dim3A_123 : vector<3x1xi32> to vector<3x9xi32>
    %eq3A_125 = arith.cmpi eq, %iota3A_122, %eq3A_124 : vector<3x9xi32>
    %convert_element_type3A_126 = arith.extui %eq3A_125 : vector<3x9xi1> to vector<3x9xi32>
    %convert_element_type3A_127 = arith.sitofp %convert_element_type3A_126 : vector<3x9xi32> to vector<3x9xf32>
    %dot_general3A_128 = arith.constant dense<0.000000e+00> : vector<3x192xf32>
    %dot_general3A_129 = tpu.matmul %convert_element_type3A_127, %get3A_121, %dot_general3A_128 {dimension_numbers = #tpu.dot_dimension_numbers<[1], [0], [0], [1], [0, 0, 1, 1], [], []>, transpose_lhs_hint = false} : vector<3x9xf32>, vector<9x192xf32>, vector<3x192xf32> -> vector<3x192xf32>
    %get3A_130 = arith.constant 0 : index
    %get3A_131 = arith.constant 0 : index
    %get3A_132 = vector.load %arg3[%get3A_130, %get3A_131] : memref<9x192xf32, #tpu.memory_space<vmem>>, vector<9x192xf32>
    %iota3A_133 = tpu.iota {dimensions = array<i32: 1>} : vector<3x9xi32>
    %broadcast_in_dim3A_134 = vector.shape_cast %add3A_111 : vector<3xi32> to vector<3x1xi32>
    %eq3A_135 = vector.broadcast %broadcast_in_dim3A_134 : vector<3x1xi32> to vector<3x9xi32>
    %eq3A_136 = arith.cmpi eq, %iota3A_133, %eq3A_135 : vector<3x9xi32>
    %convert_element_type3A_137 = arith.extui %eq3A_136 : vector<3x9xi1> to vector<3x9xi32>
    %convert_element_type3A_138 = arith.sitofp %convert_element_type3A_137 : vector<3x9xi32> to vector<3x9xf32>
    %dot_general3A_139 = arith.constant dense<0.000000e+00> : vector<3x192xf32>
    %dot_general3A_140 = tpu.matmul %convert_element_type3A_138, %get3A_132, %dot_general3A_139 {dimension_numbers = #tpu.dot_dimension_numbers<[1], [0], [0], [1], [0, 0, 1, 1], [], []>, transpose_lhs_hint = false} : vector<3x9xf32>, vector<9x192xf32>, vector<3x192xf32> -> vector<3x192xf32>
    %get3A_141 = arith.constant 0 : index
    %get3A_142 = arith.constant 0 : index
    %get3A_143 = vector.load %arg4[%get3A_141, %get3A_142] : memref<81x192xf32, #tpu.memory_space<vmem>>, vector<81x192xf32>
    %iota3A_144 = tpu.iota {dimensions = array<i32: 1>} : vector<3x81xi32>
    %broadcast_in_dim3A_145 = vector.shape_cast %add3A_2 : vector<3xi32> to vector<3x1xi32>
    %eq3A_146 = vector.broadcast %broadcast_in_dim3A_145 : vector<3x1xi32> to vector<3x81xi32>
    %eq3A_147 = arith.cmpi eq, %iota3A_144, %eq3A_146 : vector<3x81xi32>
    %convert_element_type3A_148 = arith.extui %eq3A_147 : vector<3x81xi1> to vector<3x81xi32>
    %convert_element_type3A_149 = arith.sitofp %convert_element_type3A_148 : vector<3x81xi32> to vector<3x81xf32>
    %dot_general3A_150 = arith.constant dense<0.000000e+00> : vector<3x192xf32>
    %dot_general3A_151 = tpu.matmul %convert_element_type3A_149, %get3A_143, %dot_general3A_150 {dimension_numbers = #tpu.dot_dimension_numbers<[1], [0], [0], [1], [0, 0, 1, 1], [], []>, transpose_lhs_hint = false} : vector<3x81xf32>, vector<81x192xf32>, vector<3x192xf32> -> vector<3x192xf32>
    %concatenate3A = tpu.concatenate %dot_general3A_118, %dot_general3A_129, %dot_general3A_140, %dot_general3A_151 in 1 : vector<3x192xf32>, vector<3x192xf32>, vector<3x192xf32>, vector<3x192xf32> -> vector<3x768xf32>
    %broadcast_in_dim3A_152 = vector.shape_cast %concatenate3A : vector<3x768xf32> to vector<3x1x768xf32>
    %broadcast_in_dim3A_153 = vector.shape_cast %broadcast_in_dim3A_152 : vector<3x1x768xf32> to vector<3x1x768xf32>
    %broadcast_in_dim3A_154 = vector.broadcast %broadcast_in_dim3A_153 : vector<3x1x768xf32> to vector<3x1024x768xf32>
    %swap3A = arith.constant 0 : index
    %swap3A_155 = arith.constant 0 : index
    %swap3A_156 = arith.constant 0 : index
    %swap3A_157 = vector.load %arg5[%swap3A, %swap3A_155, %swap3A_156] : memref<3x1024x768xf32, #tpu.memory_space<vmem>>, vector<3x1024x768xf32>
    tpu.vector_store %arg5[%swap3A, %swap3A_155, %swap3A_156], %broadcast_in_dim3A_154 {strides = array<i32>} : memref<3x1024x768xf32, #tpu.memory_space<vmem>>, vector<3x1024x768xf32>,
    return
  }
  func.func @transform_0(%arg0: i32) -> (i32, i32) {
    %c0_i32 = arith.constant 0 : i32
    %c0_i32_0 = arith.constant 0 : i32
    %c0_i32_1 = arith.constant 0 : i32
    return %c0_i32, %c0_i32_0 : i32, i32
  }
  func.func @transform_1(%arg0: i32) -> (i32, i32) {
    %c0_i32 = arith.constant 0 : i32
    %c0_i32_0 = arith.constant 0 : i32
    %c0_i32_1 = arith.constant 0 : i32
    return %c0_i32, %c0_i32_0 : i32, i32
  }
  func.func @transform_2(%arg0: i32) -> (i32, i32) {
    %c0_i32 = arith.constant 0 : i32
    %c0_i32_0 = arith.constant 0 : i32
    %c0_i32_1 = arith.constant 0 : i32
    return %c0_i32, %c0_i32_0 : i32, i32
  }
  func.func @transform_3(%arg0: i32) -> (i32, i32) {
    %c0_i32 = arith.constant 0 : i32
    %c0_i32_0 = arith.constant 0 : i32
    %c0_i32_1 = arith.constant 0 : i32
    return %c0_i32, %c0_i32_0 : i32, i32
  }
  func.func @transform_4(%arg0: i32) -> (i32, i32, i32) {
    %c0_i32 = arith.constant 0 : i32
    %c0_i32_0 = arith.constant 0 : i32
    %c0_i32_1 = arith.constant 0 : i32
    return %arg0, %c0_i32, %c0_i32_0 : i32, i32, i32
  }
}

</mosaic_0001>

<sc_bundles>
// kernel: _run.5.cloned.1.call-start
scs
__scs_entry_jumppad:
0x0: {  	(pc) =	sbr.rel $0x88, $3  }
0x1: {  	(tag) =	ssettag $0x0;
	lr =	simm.s32 $0x1  }
0x2: {  	[smem:$0x3F9D] =	sst lr;
	_ =	strace $0xD0000000  }
0x3: {  	_ = 	snop  }
0x4: {  	_ = 	snop  }
0x5: {  	_ = 	snop  }
0x6: {  	_ = 	snop  }
0x7: {  	_ = 	snop  }
__scs_overlays_trampoline_lowered:
0x8: {  	[smem:$0x3FAC] =	sst s0  }
0x9: {  	[smem:$0x3FAD] =	sst s1  }
0xa: {  	[smem:$0x3FAE] =	sst s2  }
0xb: {  	[smem:$0x3FAF] =	sst s3  }
0xc: {  	[smem:$0x3FB0] =	sst s4  }
0xd: {  	[smem:$0x3FB1] =	sst s5  }
0xe: {  	[smem:$0x3FB2] =	sst s6  }
0xf: {  	[smem:$0x3FB3] =	sst s7  }
0x10: {  	[smem:$0x3FB4] =	sst s8  }
0x11: {  	[smem:$0x3FB5] =	sst s9;
	s0 =	simm.s32 @!p0 $0x0  }
0x12: {  	s1 =	sld [smem:$0x3F9B];
	s0 =	simm.s32 @p0 $0x1  }
0x13: {  	[smem:$0x3FB6] =	sst s0;
	s0 =	simm.s32 @!p1 $0x0  }
0x14: {  	s2 =	sld [smem:$0x3F9A];
	s0 =	simm.s32 @p1 $0x1  }
0x15: {  	[smem:$0x3FB7] =	sst s0;
	s0 =	simm.s32 @!p2 $0x0  }
0x16: {  	s3 =	sld [smem:$0x3FDB];
	s0 =	simm.s32 @p2 $0x1  }
0x17: {  	s4 =	simm.s32 $0x1BF5;
	[smem:$0x3FB9] =	sst s0  }
0x18: {  	s0 =	sld [smem:$0x3F9C];
	_ =	swait.ge [sflag:s4], $0x0  }
0x19: {  	s7 =	sld [smem:$0x3F9D]  }
0x1a: {  	s8 =	sadd.s32 $0xFFFFE003, lr  }
0x1b: {  	s9 =	sadd.s32 $0xFFFFFEF7, lr;
	s5 =	simm.s32 $0xFFFFFFFF;
	p2 =	slt.u32 s8, $0xFFFFF086  }
0x1c: {  	p1 =	slt.u32 s9, $0xF7A;
	s5 =	simm.s32 @!p2 $0x0  }
0x1d: {  	s5 =	simm.s32 @p1 $0x1;
	p0 =	seq.s32 s7, s2  }
0x1e: {  	s7 =	smul.u32 @!p0 $0xF7A, s2;
	p2 =	seq.s32 @!p0 s5, $0x0  }
0x1f: {  	s9 =	smul.u32 $0xF7A, s1;
	s8 =	simm.s32 @!p0 $0x1BF5;
	p2 =	por !p2, p0  }
0x20: {  	[sflag:s8] =	ssyncset.s32 @!p0 $0xFFFFF086;
	s6 =	sadd.s32 @!p0 s3, s7;
	s7 =	simm.s32 @!p0 $0x108  }
0x21: {  	s3 =	sadd.s32 s3, s9;
	s6 =	sadd.s32 @!p0 $0x88, s6;
	s7 =	simm.s32 @p2 $0x1082  }
0x22: {  	[simem:s7], [sflag:s8] =	dma.local @!p0 [hbm:s6], $0xF7A  }
0x23: {  	s9 =	sor.u32 $0xD0000000, s2;
	s6 =	simm.s32 $0x108;
	_ =	swait.ge @!p0 [sflag:s8], $0x0  }
0x24: {  	s3 =	sadd.s32 $0x88, s3;
	s6 =	simm.s32 @!p1 $0x1082;
	[sflag:s4] =	ssyncset.s32 $0xFFFFF086  }
0x25: {  	[simem:s6], [sflag:s4] =	dma.local [hbm:s3], $0xF7A  }
0x26: {  	[smem:$0x3F9D] =	sst s1;
	(tag) =	ssettag s2;
	_ =	strace s9  }
0x27: {  	s1 =	sld [smem:$0x3FAD]  }
0x28: {  	s2 =	sld [smem:$0x3FAE]  }
0x29: {  	s4 =	sld [smem:$0x3FB0]  }
0x2a: {  	p0 =	seq.s32 s5, $0x0;
	s5 =	sld [smem:$0x3FB1]  }
0x2b: {  	s6 =	sld [smem:$0x3FB2]  }
0x2c: {  	s7 =	sld [smem:$0x3FB3]  }
0x2d: {  	s3 =	simm.s32 $0x108;
	s8 =	sld [smem:$0x3FB4]  }
0x2e: {  	s3 =	simm.s32 @!p0 $0x1082;
	s9 =	sld [smem:$0x3FB5]  }
0x2f: {  	lr =	sadd.s32 s0, s3;
	s0 =	sld [smem:$0x3FAC]  }
0x30: {  	s3 =	sld [smem:$0x3FAF]  }
0x31: {  	[smem:$0x3FB8] =	sst s10  }
0x32: {  	s10 =	sld [smem:$0x3FB6];
	_ =	sdelay $0x3  }
0x33: {  	p0 =	seq.s32 s10, $0x1;
	s10 =	sld [smem:$0x3FB8];
	_ =	sdelay $0x3  }
0x34: {  	[smem:$0x3FB8] =	sst s10  }
0x35: {  	s10 =	sld [smem:$0x3FB7];
	_ =	sdelay $0x3  }
0x36: {  	p1 =	seq.s32 s10, $0x1;
	s10 =	sld [smem:$0x3FB8];
	_ =	sdelay $0x3  }
0x37: {  	[smem:$0x3FB8] =	sst s10  }
0x38: {  	s10 =	sld [smem:$0x3FB9]  }
0x39: {  	_ = 	snop;
	(pc) =	sbr.ind lr, $3  }
0x3a: {  	_ = 	snop  }
0x3b: {  	_ = 	snop  }
0x3c: {  	p2 =	seq.s32 s10, $0x1;
	s10 =	sld [smem:$0x3FB8]  }
0x3d: {  	_ =	shalt  }
0x3e: {  	_ =	shalt  }
0x3f: {  	_ =	shalt  }
0x40: {  	_ =	shalt  }
0x41: {  	_ =	shalt  }
0x42: {  	_ =	shalt  }
0x43: {  	_ =	shalt  }
0x44: {  	_ =	shalt  }
0x45: {  	_ =	shalt  }
0x46: {  	_ =	shalt  }
0x47: {  	_ =	shalt  }
0x48: {  	_ =	shalt  }
0x49: {  	_ =	shalt  }
0x4a: {  	_ =	shalt  }
0x4b: {  	_ =	shalt  }
0x4c: {  	_ =	shalt  }
0x4d: {  	_ =	shalt  }
0x4e: {  	_ =	shalt  }
0x4f: {  	_ =	shalt  }
0x50: {  	_ =	shalt  }
0x51: {  	_ =	shalt  }
0x52: {  	_ =	shalt  }
0x53: {  	_ =	shalt  }
0x54: {  	_ =	shalt  }
0x55: {  	_ =	shalt  }
0x56: {  	_ =	shalt  }
0x57: {  	_ =	shalt  }
0x58: {  	_ =	shalt  }
0x59: {  	_ =	shalt  }
0x5a: {  	_ =	shalt  }
0x5b: {  	_ =	shalt  }
0x5c: {  	_ =	shalt  }
0x5d: {  	_ =	shalt  }
0x5e: {  	_ =	shalt  }
0x5f: {  	_ =	shalt  }
0x60: {  	_ =	shalt  }
0x61: {  	_ =	shalt  }
0x62: {  	_ =	shalt  }
0x63: {  	_ =	shalt  }
0x64: {  	_ =	shalt  }
0x65: {  	_ =	shalt  }
0x66: {  	_ =	shalt  }
0x67: {  	_ =	shalt  }
0x68: {  	_ =	shalt  }
0x69: {  	_ =	shalt  }
0x6a: {  	_ =	shalt  }
0x6b: {  	_ =	shalt  }
0x6c: {  	_ =	shalt  }
0x6d: {  	_ =	shalt  }
0x6e: {  	_ =	shalt  }
0x6f: {  	_ =	shalt  }
0x70: {  	_ =	shalt  }
0x71: {  	_ =	shalt  }
0x72: {  	_ =	shalt  }
0x73: {  	_ =	shalt  }
0x74: {  	_ =	shalt  }
0x75: {  	_ =	shalt  }
0x76: {  	_ =	shalt  }
0x77: {  	_ =	shalt  }
0x78: {  	_ =	shalt  }
0x79: {  	_ =	shalt  }
0x7a: {  	_ =	shalt  }
0x7b: {  	_ =	shalt  }
0x7c: {  	_ =	shalt  }
0x7d: {  	_ =	shalt  }
0x7e: {  	_ =	shalt  }
0x7f: {  	_ =	shalt  }
0x80: {  	_ =	shalt  }
0x81: {  	_ =	shalt  }
0x82: {  	_ =	shalt  }
0x83: {  	_ =	shalt  }
0x84: {  	_ =	shalt  }
0x85: {  	_ =	shalt  }
0x86: {  	_ =	shalt  }
0x87: {  	_ =	shalt  }
.Lfunc_end0:
.L_simem_size_0:
called_computation_lowered:
.L_overlay_start_0:
0x88: {  	s2 =	sld [smem:$0x3FD9]  }
0x89: {  	s3 =	sld [smem:$0x3FFE];
	_ =	sdelay $0x1  }
0x8a: {  	s1 =	srdreg.scid  }
0x8b: {  	s0 =	sand.u32 $0x1, s1  }
0x8c: {  	s17 =	sshll.u32 s0, $0xA;
	s2 =	sadd.s32 s3, s2  }
0x8d: {  	s2 =	sadd.s32 s2, s17  }
0x8e: {  	[smem:$0x3FC4] =	sst s2  }
0x8f: {  	_ = 	snop  }
0x90: {  	s2 =	sld [smem:$0x3FD0];
	(tm) =	ssettm $0x1  }
0x91: {  	s18 =	sld [smem:$0x3FFB];
	_ =	sdelay $0x3  }
0x92: {  	_ =	strace s18  }
0x93: {  	s3 =	sld [smem:$0x3FFC];
	_ =	sdelay $0x3  }
0x94: {  	_ =	strace s3  }
0x95: {  	s3 =	sld [smem:$0x3FFD];
	_ =	sdelay $0x3  }
0x96: {  	_ =	strace s3  }
0x97: {  	_ =	strace $0x8FFFFFFF  }
0x98: {  	s19 =	sld [smem:$0x3FDB];
	_ =	sdelay $0x1  }
0x99: {  	s4 =	simm.s32 $_scs_section_size  }
0x9a: {  	s5 =	simm.s32 $_size__tile_overlayer_lowered;
	s6 =	simm.s32 $_tile_overlayer_lowered  }
0x9b: {  	s22 =	simm.s32 $0x1BFF;
	s21 =	sshll.u32 s6, $0x1;
	s3 =	sadd.s32 s4, s19  }
0x9c: {  	s7 =	simm.s32 $0x0;
	s20 =	sshll.u32 s5, $0x1;
	s5 =	sadd.s32 s21, s3  }
0x9d: {  	[timem:s7], [sflag:s22] =	dma.local [hbm:s5], s20  }
0x9e: {  	_ =	swait.ge [sflag:s22], s20  }
0x9f: {  	s4 =	ssub.s32 $0x0, s20;
	[sflag:s22] =	ssyncset.done $0x0  }
0xa0: {  	[sflag:s22] =	ssyncadd.s32 s4;
	_ =	sdelay $0x1  }
0xa1: {  	s23 =	simm.s32 $0x1B8B  }
0xa2: {  	_ =	swait.ge [sflag:s23], $0x1  }
0xa3: {  	[sflag:s23] =	ssyncset.done $0x0  }
0xa4: {  	s25 =	simm.s32 $0x1B8E;
	s24 =	sld [smem:$0x3FFE];
	[sflag:s23] =	ssyncadd.s32 $0xFFFFFFFF  }
0xa5: {  	s26 =	simm.s32 $execute0_lowered;
	[smem:$0x3FD2] =	sst s25  }
0xa6: {  	s5 =	sshll.u32 s26, $0x1;
	_ =	strace $0x80000046;
	[dreg:$0x1] =	wrdreg $0xFFFFFFFF  }
0xa7: {  	s28 =	simm.s32 $_size_execute0_lowered;
	s3 =	sadd.s32 s3, s5;
	[dreg:$0x0] =	wrdreg $0x0  }
0xa8: {  	s5 =	sshll.u32 s28, $0x1;
	[dreg:$0x2] =	wrdreg s3  }
0xa9: {  	[dreg:$0x3] =	wrdreg s5  }
0xaa: {  	[dreg:$0x4] =	wrdreg $0xC0  }
0xab: {  	_ =	task [dreg:s7], $0x5FFFF  }
0xac: {  	[dreg:$0x1] =	wrdreg $0xFFFFFFFF  }
0xad: {  	[dreg:$0x0] =	wrdreg $0x60  }
0xae: {  	[dreg:$0x2] =	wrdreg s2  }
0xaf: {  	[dreg:$0x3] =	wrdreg s24  }
0xb0: {  	[dreg:$0x4] =	wrdreg $0x9  }
0xb1: {  	_ =	task.clear_ibuf [dreg:s7], $0x5FFFF;
	_ =	strace $0x90000046  }
0xb2: {  	s29 =	simm.s32 $0x9;
	_ =	strace $0x80000048  }
0xb3: {  	_ =	swait.ge [sflag:s29], $0x1  }
0xb4: {  	[sflag:s29] =	ssyncadd.s32 $0xFFFFFFFF  }
0xb5: {  	_ =	strace $0x90000048  }
0xb6: {  	_ =	sfence  }
0xb7: {  	s30 =	sld [smem:$0x0];
	_ =	sdelay $0x2  }
0xb8: {  	s31 =	sshll.u32 s1, $0xD;
	s1 =	sshrl.u32 s1, $0x2  }
0xb9: {  	s3 =	sand.u32 $0x4000, s31;
	s1 =	sadd.s32 s1, s30  }
0xba: {  	s0 =	sor.u32 s3, s0;
	s1 =	sshll.u32 s1, $0x11  }
0xbb: {  	s0 =	sor.u32 s1, s0  }
0xbc: {  	s0 =	sadd.s32 $0x8F2B, s0  }
0xbd: {  	[sflag:s0] =	ssyncadd.remote.s32 $0x1  }
0xbe: {  	_ =	sfence.sel $0xFFFF  }
0xbf: {  	[dreg:$0x0] =	wrdreg $0xFFFFFFFF;
	(pc) =	sbr.abs _section_cstart, $3  }
0xc0: {  	[dreg:$0x1] =	wrdreg $0xFFFFFFFF  }
0xc1: {  	_ =	task.clear_ibuf [dreg:s7], $0x2FFFF;
	_ =	strace $0x9FFFFFFF  }
0xc2: {  	(tm) =	ssettm $0x7FFFFFFF  }
0xc3: {  	_ =	shalt  }
tec
execute0_lowered:
.L_overlay_start_1:
0x0: {  	(tag) =	ssettag $0x1  }
0x1: {  	s1 =	stileid.u32  }
0x2: {  	p0 =	seq.s32 s1, $0xF  }
.Ltmp0:
0x3: {  	_ = 	snop;
	(pc) =	sbr.rel @p0 .LBB2_4-.Ltmp0, $4  }
0x4: {  	s3 =	rddreg [dreg:$0x0]  }
0x5: {  	s5 =	rddreg [dreg:$0x1];
	s2 =	simm.s32 $0x0  }
0x6: {  	[smem:$0x7FF] =	sst s2  }
0x7: {  	s0 =	rddreg [dreg:$0x2];
	_ =	strace $0x80000047  }
0x8: {  	s4 =	srdreg.scid  }
0x9: {  	s30 =	sshll.u32 s1, $0x1;
	s14 =	sand.u32 $0x1, s4  }
0xa: {  	s4 =	sor.u32 s14, s30  }
0xb: {  	s6 =	smul.u32 $0x3000, s4;
	_ =	sdelay $0x1  }
0xc: {  	s7 =	smul.u32 $0xC0000, s4;
	s4 =	simm.s32 $0x1;
	s3 =	sadd.s32 s3, s6  }
0xd: {  	[tilespmem:s2], [sflag:$0x1] =	stream.linear.gather [hbm4b:s3+s2], $0x18000, $0x38;
	[tilespmem:$0x18000] =	vst v63  }
0xe: {  	s31 =	sshrl.u32 s7, $0x3;
	_ =	swait.ge [sflag:s4], $0x18000  }
0xf: {  	s12 =	sadd.s32 s31, s5;
	[sflag:s4] =	ssyncset.done $0x0  }
0x10: {  	s5 =	sadd.s32 $0xE00, s12;
	[sflag:s4] =	ssyncadd.s32 $0xFFFE8000  }
0x11: {  	[hbm4b:s5+s2] =	stream.linear.scatter [tilespmem:s2], [sflag:$0x2], $0x18000, $0x38;
	[tilespmem:$0x18000] =	vst v63  }
0x12: {  	s6 =	sadd.s32 $0x3E00, s12  }
0x13: {  	[hbm4b:s6+s2] =	stream.linear.scatter [tilespmem:s2], [sflag:$0x2], $0x18000, $0x38;
	[tilespmem:$0x18000] =	vst v63  }
0x14: {  	s7 =	sadd.s32 $0x6E00, s12  }
0x15: {  	[hbm4b:s7+s2] =	stream.linear.scatter [tilespmem:s2], [sflag:$0x2], $0x18000, $0x38;
	[tilespmem:$0x18000] =	vst v63  }
0x16: {  	s8 =	sadd.s32 $0x9E00, s12  }
0x17: {  	[hbm4b:s8+s2] =	stream.linear.scatter [tilespmem:s2], [sflag:$0x2], $0x18000, $0x38;
	[tilespmem:$0x18000] =	vst v63  }
0x18: {  	s9 =	sadd.s32 $0xCE00, s12  }
0x19: {  	[hbm4b:s9+s2] =	stream.linear.scatter [tilespmem:s2], [sflag:$0x2], $0x18000, $0x38;
	[tilespmem:$0x18000] =	vst v63  }
0x1a: {  	s10 =	sadd.s32 $0xFE00, s12  }
0x1b: {  	[hbm4b:s10+s2] =	stream.linear.scatter [tilespmem:s2], [sflag:$0x2], $0x18000, $0x38;
	[tilespmem:$0x18000] =	vst v63  }
0x1c: {  	s11 =	sadd.s32 $0x12E00, s12  }
0x1d: {  	[hbm4b:s11+s2] =	stream.linear.scatter [tilespmem:s2], [sflag:$0x2], $0x18000, $0x38;
	[tilespmem:$0x18000] =	vst v63  }
0x1e: {  	s13 =	sadd.s32 $0x15E00, s12;
	s12 =	simm.s32 $0x2  }
0x1f: {  	[hbm4b:s13+s2] =	stream.linear.scatter [tilespmem:s2], [sflag:$0x2], $0x18000, $0x38;
	[tilespmem:$0x18000] =	vst v63  }
0x20: {  	_ =	swait.ge [sflag:s12], $0x18000  }
0x21: {  	[sflag:s12] =	ssyncset.done $0x0  }
0x22: {  	[sflag:s12] =	ssyncadd.s32 $0xFFFE8000  }
0x23: {  	_ =	swait.ge [sflag:s12], $0x18000  }
0x24: {  	[sflag:s12] =	ssyncset.done $0x0  }
0x25: {  	[sflag:s12] =	ssyncadd.s32 $0xFFFE8000  }
0x26: {  	_ =	swait.ge [sflag:s12], $0x18000  }
0x27: {  	[sflag:s12] =	ssyncset.done $0x0  }
0x28: {  	[sflag:s12] =	ssyncadd.s32 $0xFFFE8000  }
0x29: {  	_ =	swait.ge [sflag:s12], $0x18000  }
0x2a: {  	[sflag:s12] =	ssyncset.done $0x0  }
0x2b: {  	[sflag:s12] =	ssyncadd.s32 $0xFFFE8000  }
0x2c: {  	_ =	swait.ge [sflag:s12], $0x18000  }
0x2d: {  	s14 =	ssub.s32 $0x2, s14;
	[sflag:s12] =	ssyncset.done $0x0  }
0x2e: {  	s15 =	sshrl.u32 s14, $0x1;
	[sflag:s12] =	ssyncadd.s32 $0xFFFE8000  }
0x2f: {  	s14 =	ssub.s32 s14, s15;
	_ =	swait.ge [sflag:s12], $0x18000  }
0x30: {  	s14 =	smax.u32 s14, $0x1;
	[sflag:s12] =	ssyncset.done $0x0  }
0x31: {  	p0 =	sne.s32 s14, $0x1;
	[sflag:s12] =	ssyncadd.s32 $0xFFFE8000  }
.Ltmp1:
0x32: {  	_ =	swait.ge [sflag:s12], $0x18000;
	(pc) =	sbr.rel @!p0 .LBB2_3-.Ltmp1, $4  }
0x33: {  	[sflag:s12] =	ssyncset.done $0x0  }
0x34: {  	[sflag:s12] =	ssyncadd.s32 $0xFFFE8000  }
0x35: {  	_ =	swait.ge [sflag:s12], $0x18000  }
0x36: {  	s14 =	sadd.s32 $0xFFFFFFFF, s14;
	[sflag:s12] =	ssyncset.done $0x0  }
.LBB2_2:
0x37: {  	p0 =	sne.s32 s14, $0x1;
	s14 =	sadd.s32 $0xFFFFFFFF, s14;
	[sflag:s12] =	ssyncadd.s32 $0xFFFE8000  }
0x38: {  	[tilespmem:s2], [sflag:$0x1] =	stream.linear.gather [hbm4b:s3+s2], $0x18000, $0x38;
	[tilespmem:$0x18000] =	vst v63  }
0x39: {  	_ =	swait.ge [sflag:s4], $0x18000  }
0x3a: {  	[sflag:s4] =	ssyncset.done $0x0  }
0x3b: {  	[sflag:s4] =	ssyncadd.s32 $0xFFFE8000  }
0x3c: {  	[hbm4b:s5+s2] =	stream.linear.scatter [tilespmem:s2], [sflag:$0x2], $0x18000, $0x38;
	[tilespmem:$0x18000] =	vst v63  }
0x3d: {  	_ = 	snop  }
0x3e: {  	[hbm4b:s6+s2] =	stream.linear.scatter [tilespmem:s2], [sflag:$0x2], $0x18000, $0x38;
	[tilespmem:$0x18000] =	vst v63  }
0x3f: {  	_ = 	snop  }
0x40: {  	[hbm4b:s7+s2] =	stream.linear.scatter [tilespmem:s2], [sflag:$0x2], $0x18000, $0x38;
	[tilespmem:$0x18000] =	vst v63  }
0x41: {  	_ = 	snop  }
0x42: {  	[hbm4b:s8+s2] =	stream.linear.scatter [tilespmem:s2], [sflag:$0x2], $0x18000, $0x38;
	[tilespmem:$0x18000] =	vst v63  }
0x43: {  	_ = 	snop  }
0x44: {  	[hbm4b:s9+s2] =	stream.linear.scatter [tilespmem:s2], [sflag:$0x2], $0x18000, $0x38;
	[tilespmem:$0x18000] =	vst v63  }
0x45: {  	_ = 	snop  }
0x46: {  	[hbm4b:s10+s2] =	stream.linear.scatter [tilespmem:s2], [sflag:$0x2], $0x18000, $0x38;
	[tilespmem:$0x18000] =	vst v63  }
0x47: {  	_ = 	snop  }
0x48: {  	[hbm4b:s11+s2] =	stream.linear.scatter [tilespmem:s2], [sflag:$0x2], $0x18000, $0x38;
	[tilespmem:$0x18000] =	vst v63  }
0x49: {  	_ = 	snop  }
0x4a: {  	[hbm4b:s13+s2] =	stream.linear.scatter [tilespmem:s2], [sflag:$0x2], $0x18000, $0x38;
	[tilespmem:$0x18000] =	vst v63  }
0x4b: {  	_ =	swait.ge [sflag:s12], $0x18000  }
0x4c: {  	[sflag:s12] =	ssyncset.done $0x0  }
0x4d: {  	[sflag:s12] =	ssyncadd.s32 $0xFFFE8000  }
0x4e: {  	_ =	swait.ge [sflag:s12], $0x18000  }
0x4f: {  	[sflag:s12] =	ssyncset.done $0x0  }
0x50: {  	[sflag:s12] =	ssyncadd.s32 $0xFFFE8000  }
0x51: {  	_ =	swait.ge [sflag:s12], $0x18000  }
0x52: {  	[sflag:s12] =	ssyncset.done $0x0  }
0x53: {  	[sflag:s12] =	ssyncadd.s32 $0xFFFE8000  }
0x54: {  	_ =	swait.ge [sflag:s12], $0x18000  }
0x55: {  	[sflag:s12] =	ssyncset.done $0x0  }
0x56: {  	[sflag:s12] =	ssyncadd.s32 $0xFFFE8000  }
0x57: {  	_ =	swait.ge [sflag:s12], $0x18000  }
0x58: {  	[sflag:s12] =	ssyncset.done $0x0  }
0x59: {  	[sflag:s12] =	ssyncadd.s32 $0xFFFE8000  }
0x5a: {  	_ =	swait.ge [sflag:s12], $0x18000  }
0x5b: {  	[sflag:s12] =	ssyncset.done $0x0  }
0x5c: {  	[sflag:s12] =	ssyncadd.s32 $0xFFFE8000  }
.Ltmp2:
0x5d: {  	_ =	swait.ge [sflag:s12], $0x18000;
	(pc) =	sbr.rel @p0 .LBB2_2-.Ltmp2, $4  }
0x5e: {  	[sflag:s12] =	ssyncset.done $0x0  }
0x5f: {  	[sflag:s12] =	ssyncadd.s32 $0xFFFE8000  }
0x60: {  	_ =	swait.ge [sflag:s12], $0x18000  }
0x61: {  	[sflag:s12] =	ssyncset.done $0x0  }
.LBB2_3:
0x62: {  	[sflag:s12] =	ssyncadd.s32 $0xFFFE8000  }
.LBB2_4:
0x63: {  	_ =	sfence.sel $0x180000  }
0x64: {  	[bflag:$0x0] =	sbarrier.arrive $0xFFFF  }
0x65: {  	p0 =	sne.s32 s1, $0x0;
	_ =	strace $0x90000047  }
0x66: {  	s0 =	sadd.s32 @!p0 $0x100000, s0;
	[bflag:$0x2] =	sbarrier.arrive $0xFFFF  }
0x67: {  	[sflag:s0] =	ssyncadd.tile.s32 @!p0 $0x1;
	_ =	shalt  }
.Lfunc_end2:
_tile_overlayer_lowered:
.L_overlay_start_2:
0x68: {  	(tag) =	ssettag $0x2  }
0x69: {  	s0 =	rddreg [dreg:$0x0];
	s2 =	stileid.u32  }
0x6a: {  	s1 =	rddreg [dreg:$0x1];
	p0 =	sne.s32 s2, $0x0  }
0x6b: {  	s3 =	rddreg [dreg:$0x2];
	[bflag:$0x3] =	sbarrier.arrive $0xFFFF;
	s2 =	simm.s32 @!p0 $0x1C03  }
0x6c: {  	[timem:s3], [sflag:s2] =	dma.local @!p0 [hbm:s0], s1  }
0x6d: {  	s0 =	simm.s32 @!p0 $0x3  }
0x6e: {  	_ =	swait.ge @!p0 [sflag:s0], s1  }
0x6f: {  	s1 =	ssub.s32 @!p0 $0x0, s1;
	[sflag:s0] =	ssyncset.done @!p0 $0x0  }
0x70: {  	[sflag:s0] =	ssyncadd.s32 @!p0 s1  }
0x71: {  	[bflag:$0x3] =	sbarrier.arrive $0xFFFF  }
0x72: {  	_ =	shalt  }

</sc_bundles>
